<compile_context>
chip_gen: v7x
topology: tpu7x:2x2x1
jax: 0.10.2.dev20260603
libtpu: 0.0.44.dev20260713+nightly
codegen_flags: <defaults>
</compile_context>

<pallas_src>
import functools

import jax
import jax.numpy as jnp
from jax import lax
from jax.experimental import pallas as pl
from jax.experimental.pallas import tpu as pltpu
from jax.experimental.pallas import tpu_sc as plsc


def _table_body(wt_ref, b_ref, out_ref):
    out_ref[...] = wt_ref[...] + b_ref[...]


def _build_table(wt, b_row):
    return pl.pallas_call(
        _table_body,
        out_shape=jax.ShapeDtypeStruct(wt.shape, wt.dtype),
    )(wt, b_row)


def _gather_rows(table, idx3):
    c, e = table.shape
    (n,) = idx3.shape
    nw = 32
    chunk = 128
    rows_per_w = n // nw
    k = rows_per_w // chunk
    group = 2
    nbuf = 2 * group
    mesh = plsc.VectorSubcoreMesh(core_axis_name="c", subcore_axis_name="s")

    @functools.partial(
        pl.kernel,
        out_type=jax.ShapeDtypeStruct((nw * rows_per_w, e), jnp.float32),
        mesh=mesh,
        scratch_types=[
            pltpu.VMEM_SHARED((c, e), jnp.float32),
            pltpu.VMEM((rows_per_w,), jnp.int32),
            pltpu.VMEM((nbuf, chunk, e), jnp.float32),
            [pltpu.SemaphoreType.DMA] * nbuf,
            [pltpu.SemaphoreType.DMA] * nbuf,
        ],
    )
    def k_fn(table_hbm, idx_hbm, out_hbm, table_sh, idx_v, rows_v, sems_g, sems_s):
        sid = lax.axis_index("s")
        wid = sid * 2 + lax.axis_index("c")
        base = wid * rows_per_w

        @pl.when(sid == 0)
        def _stage():
            pltpu.sync_copy(table_hbm, table_sh)

        pltpu.sync_copy(idx_hbm.at[pl.ds(base, rows_per_w)], idx_v)
        plsc.subcore_barrier()

        def drain_stores(p):
            for u in range(group):
                pltpu.make_async_copy(
                    rows_v.at[p * group + u],
                    out_hbm.at[pl.ds(base, chunk)],
                    sems_s[p * group + u],
                ).wait()

        def fire_gathers(g, p):
            c0 = g * 2 * group + p * group
            return [
                pltpu.async_copy(
                    table_sh.at[idx_v.at[pl.ds((c0 + u) * chunk, chunk)]],
                    rows_v.at[p * group + u],
                    sems_g[p * group + u],
                )
                for u in range(group)
            ]

        def fire_stores(g, p, gathers):
            c0 = g * 2 * group + p * group
            for u in range(group):
                gathers[u].wait()
                pltpu.async_copy(
                    rows_v.at[p * group + u],
                    out_hbm.at[pl.ds(base + (c0 + u) * chunk, chunk)],
                    sems_s[p * group + u],
                )

        def body(g, carry):
            @pl.when(g > 0)
            def _():
                drain_stores(0)

            ga = fire_gathers(g, 0)

            @pl.when(g > 0)
            def _():
                drain_stores(1)

            gb = fire_gathers(g, 1)
            fire_stores(g, 0, ga)
            fire_stores(g, 1, gb)
            return carry

        lax.fori_loop(0, k // (2 * group), body, 0)
        drain_stores(0)
        drain_stores(1)

    return k_fn(table, idx3)


def kernel(x, W, b):
    e, c = W.shape
    n_i, t = x.shape
    table = _build_table(W.T, b.reshape(1, e))

    idx = x.T.reshape(x.size).astype(jnp.int32)
    out = _gather_rows(table, idx)
    return out.reshape(t, n_i, e).transpose(1, 0, 2)

# --- scband reference (transcript-rebuilt; emitter-appended) ---
"""Pipeline reference for scband-one-hot-and-linear-78675210928791 (READ-ONLY COPY).

The authoritative reference and input builder live on the scoring server;
editing this copy changes nothing except your own understanding.
"""

import jax, jax.numpy as jnp
import numpy as np

NUM_CLASSES = 1000
EMBED_DIM = 128
B, T = 4096, 20


def setup_inputs(seed: int = 0) -> dict:
    key = jax.random.key(seed)
    k1, k2, k3 = jax.random.split(key, 3)
    x = jax.random.randint(k1, (B, T), 0, NUM_CLASSES)
    bound = 1.0 / np.sqrt(NUM_CLASSES)
    # torch nn.Linear weight: [embed_dim, num_classes], bias: [embed_dim]
    W = jax.random.uniform(k2, (EMBED_DIM, NUM_CLASSES), minval=-bound, maxval=bound, dtype=jnp.float32)
    b = jax.random.uniform(k3, (EMBED_DIM,), minval=-bound, maxval=bound, dtype=jnp.float32)
    return {"x": x, "W": W, "b": b}


def reference(x, W, b):
    # Faithful translation of OneHotAndLinear.forward:
    #   one_hot = F.one_hot(x.long(), num_classes).to(weight_dtype)
    #   return self.linear(one_hot)  # one_hot @ W.T + b
    one_hot = jax.nn.one_hot(x, NUM_CLASSES, dtype=W.dtype)
    return jnp.matmul(one_hot, W.T) + b

if __name__ == "__main__":
    import jax
    _d = setup_inputs()
    print(jax.jit(kernel)(*tuple(_d.values())))

</pallas_src>

<mosaic_0001>
#map = affine_map<(d0, d1) -> (0, 0)>
#map1 = affine_map<(d0, d1) -> (0)>
module attributes {stable_mosaic.version = 14 : i64} {
  func.func @k_fn(%arg0: i32, %arg1: i32, %arg2: memref<1000x128xf32, #tpu.memory_space<hbm>>, %arg3: memref<81920xi32, #tpu.memory_space<hbm>>, %arg4: memref<81920x128xf32, #tpu.memory_space<hbm>>, %arg5: memref<1000x128xf32, #tpu.memory_space<vmem_shared>>, %arg6: memref<2560xi32, #tpu.memory_space<vmem>>, %arg7: memref<4x128x128xf32, #tpu.memory_space<vmem>>, %arg8: memref<!tpu.dma_semaphore, #tpu.memory_space<semaphore_mem>>, %arg9: memref<!tpu.dma_semaphore, #tpu.memory_space<semaphore_mem>>, %arg10: memref<!tpu.dma_semaphore, #tpu.memory_space<semaphore_mem>>, %arg11: memref<!tpu.dma_semaphore, #tpu.memory_space<semaphore_mem>>, %arg12: memref<!tpu.dma_semaphore, #tpu.memory_space<semaphore_mem>>, %arg13: memref<!tpu.dma_semaphore, #tpu.memory_space<semaphore_mem>>, %arg14: memref<!tpu.dma_semaphore, #tpu.memory_space<semaphore_mem>>, %arg15: memref<!tpu.dma_semaphore, #tpu.memory_space<semaphore_mem>>) attributes {dimension_semantics = [#tpu.dimension_semantics<core_parallel>, #tpu.dimension_semantics<subcore_parallel>], iteration_bounds = array<i64: 2, 16>, scalar_prefetch = 0 : i64, scratch_operands = 11 : i64, tpu.core_type = #tpu.core_type<sc_vector_subcore>, window_params = [{transform_indices = #map}, {transform_indices = #map1}, {transform_indices = #map}]} {
    %mul3A = arith.constant 2 : i32
    %mul3A_0 = arith.muli %arg1, %mul3A : i32
    %add3A = arith.addi %mul3A_0, %arg0 : i32
    %mul3A_1 = arith.constant 2560 : i32
    %mul3A_2 = arith.muli %add3A, %mul3A_1 : i32
    %eq3A = arith.constant 0 : i32
    %eq3A_3 = arith.cmpi eq, %arg1, %eq3A : i32
    %convert_element_type3A = arith.extui %eq3A_3 : i1 to i32
    %cond3A = arith.constant 0 : i32
    %cond3A_4 = arith.cmpi ne, %convert_element_type3A, %cond3A : i32
    scf.if %cond3A_4 {
      "tpu.region"() ({
        %run_scoped3A = tpu.sem_alloc : memref<!tpu.dma_semaphore, #tpu.memory_space<semaphore_mem>>
        tpu.enqueue_dma source(%arg2 : memref<1000x128xf32, #tpu.memory_space<hbm>>) target(%arg5 : memref<1000x128xf32, #tpu.memory_space<vmem_shared>>) target_semaphore(%run_scoped3A : memref<!tpu.dma_semaphore, #tpu.memory_space<semaphore_mem>>)
        tpu.wait_dma2 semaphore(%run_scoped3A : memref<!tpu.dma_semaphore, #tpu.memory_space<semaphore_mem>>) src(%arg2 : memref<1000x128xf32, #tpu.memory_space<hbm>>) dst(%arg5 : memref<1000x128xf32, #tpu.memory_space<vmem_shared>>)
        tpu.yield
      }) : () -> ()
    } else {
    }
    "tpu.region"() ({
      %run_scoped3A = tpu.sem_alloc : memref<!tpu.dma_semaphore, #tpu.memory_space<semaphore_mem>>
      %dma_start3A = tpu.memref_slice %arg3[%mul3A_2] : memref<81920xi32, #tpu.memory_space<hbm>> -> memref<2560xi32, #tpu.memory_space<hbm>>
      %dma_start3A_61 = tpu.memref_slice %arg3[%mul3A_2] : memref<81920xi32, #tpu.memory_space<hbm>> -> memref<2560xi32, #tpu.memory_space<hbm>>
      tpu.enqueue_dma source(%dma_start3A_61 : memref<2560xi32, #tpu.memory_space<hbm>>) target(%arg6 : memref<2560xi32, #tpu.memory_space<vmem>>) target_semaphore(%run_scoped3A : memref<!tpu.dma_semaphore, #tpu.memory_space<semaphore_mem>>)
      %dma_wait3A_62 = tpu.memref_slice %arg3[%mul3A_2] : memref<81920xi32, #tpu.memory_space<hbm>> -> memref<2560xi32, #tpu.memory_space<hbm>>
      %dma_wait3A_63 = tpu.memref_slice %arg3[%mul3A_2] : memref<81920xi32, #tpu.memory_space<hbm>> -> memref<2560xi32, #tpu.memory_space<hbm>>
      tpu.wait_dma2 semaphore(%run_scoped3A : memref<!tpu.dma_semaphore, #tpu.memory_space<semaphore_mem>>) src(%dma_wait3A_63 : memref<2560xi32, #tpu.memory_space<hbm>>) dst(%arg6 : memref<2560xi32, #tpu.memory_space<vmem>>)
      tpu.yield
    }) : () -> ()
    %barrier3A = arith.constant 0 : index
    tpu.barrier barrier_id(%barrier3A)
    %scan3A = arith.constant 0 : i32
    %scan3A_5 = arith.constant 0 : i32
    %scan3A_6 = arith.constant 5 : i32
    %scan3A_7 = arith.addi %scan3A_5, %scan3A_6 : i32
    %scan3A_8 = arith.constant 1 : i32
    scf.for %scan3A_61 = %scan3A_5 to %scan3A_7 step %scan3A_8  : i32 {
      %gt3A = arith.constant 0 : i32
      %gt3A_62 = arith.cmpi sgt, %scan3A_61, %gt3A : i32
      %convert_element_type3A_63 = arith.extui %gt3A_62 : i1 to i32
      %cond3A_64 = arith.constant 0 : i32
      %cond3A_65 = arith.cmpi ne, %convert_element_type3A_63, %cond3A_64 : i32
      scf.if %cond3A_65 {
        %dma_wait3A_254 = arith.constant 0 : i32
        %dma_wait3A_255 = arith.constant 0 : i32
        %dma_wait3A_256 = arith.constant 0 : i32
        %dma_wait3A_257 = tpu.memref_slice %arg7[%dma_wait3A_254, %dma_wait3A_255, %dma_wait3A_256] : memref<4x128x128xf32, #tpu.memory_space<vmem>> -> memref<1x128x128xf32, #tpu.memory_space<vmem>>
        %dma_wait3A_258 = tpu.memref_squeeze %dma_wait3A_257 : memref<1x128x128xf32, #tpu.memory_space<vmem>> -> memref<128x128xf32, #tpu.memory_space<vmem>>
        %dma_wait3A_259 = arith.constant 0 : i32
        %dma_wait3A_260 = tpu.memref_slice %arg4[%mul3A_2, %dma_wait3A_259] : memref<81920x128xf32, #tpu.memory_space<hbm>> -> memref<128x128xf32, #tpu.memory_space<hbm>>
        %dma_wait3A_261 = arith.constant 0 : i32
        %dma_wait3A_262 = tpu.memref_slice %arg4[%mul3A_2, %dma_wait3A_261] : memref<81920x128xf32, #tpu.memory_space<hbm>> -> memref<128x128xf32, #tpu.memory_space<hbm>>
        %dma_wait3A_263 = arith.constant 0 : i32
        %dma_wait3A_264 = arith.constant 0 : i32
        %dma_wait3A_265 = tpu.memref_slice %arg7[%dma_wait3A_254, %dma_wait3A_263, %dma_wait3A_264] : memref<4x128x128xf32, #tpu.memory_space<vmem>> -> memref<1x128x128xf32, #tpu.memory_space<vmem>>
        %dma_wait3A_266 = tpu.memref_squeeze %dma_wait3A_265 : memref<1x128x128xf32, #tpu.memory_space<vmem>> -> memref<128x128xf32, #tpu.memory_space<vmem>>
        tpu.wait_dma2 semaphore(%arg12 : memref<!tpu.dma_semaphore, #tpu.memory_space<semaphore_mem>>) src(%dma_wait3A_266 : memref<128x128xf32, #tpu.memory_space<vmem>>) dst(%dma_wait3A_262 : memref<128x128xf32, #tpu.memory_space<hbm>>)
        %dma_wait3A_267 = arith.constant 1 : i32
        %dma_wait3A_268 = arith.constant 0 : i32
        %dma_wait3A_269 = arith.constant 0 : i32
        %dma_wait3A_270 = tpu.memref_slice %arg7[%dma_wait3A_267, %dma_wait3A_268, %dma_wait3A_269] : memref<4x128x128xf32, #tpu.memory_space<vmem>> -> memref<1x128x128xf32, #tpu.memory_space<vmem>>
        %dma_wait3A_271 = tpu.memref_squeeze %dma_wait3A_270 : memref<1x128x128xf32, #tpu.memory_space<vmem>> -> memref<128x128xf32, #tpu.memory_space<vmem>>
        %dma_wait3A_272 = arith.constant 0 : i32
        %dma_wait3A_273 = tpu.memref_slice %arg4[%mul3A_2, %dma_wait3A_272] : memref<81920x128xf32, #tpu.memory_space<hbm>> -> memref<128x128xf32, #tpu.memory_space<hbm>>
        %dma_wait3A_274 = arith.constant 0 : i32
        %dma_wait3A_275 = tpu.memref_slice %arg4[%mul3A_2, %dma_wait3A_274] : memref<81920x128xf32, #tpu.memory_space<hbm>> -> memref<128x128xf32, #tpu.memory_space<hbm>>
        %dma_wait3A_276 = arith.constant 0 : i32
        %dma_wait3A_277 = arith.constant 0 : i32
        %dma_wait3A_278 = tpu.memref_slice %arg7[%dma_wait3A_267, %dma_wait3A_276, %dma_wait3A_277] : memref<4x128x128xf32, #tpu.memory_space<vmem>> -> memref<1x128x128xf32, #tpu.memory_space<vmem>>
        %dma_wait3A_279 = tpu.memref_squeeze %dma_wait3A_278 : memref<1x128x128xf32, #tpu.memory_space<vmem>> -> memref<128x128xf32, #tpu.memory_space<vmem>>
        tpu.wait_dma2 semaphore(%arg13 : memref<!tpu.dma_semaphore, #tpu.memory_space<semaphore_mem>>) src(%dma_wait3A_279 : memref<128x128xf32, #tpu.memory_space<vmem>>) dst(%dma_wait3A_275 : memref<128x128xf32, #tpu.memory_space<hbm>>)
      } else {
      }
      %mul3A_66 = arith.constant 2 : i32
      %mul3A_67 = arith.muli %scan3A_61, %mul3A_66 : i32
      %mul3A_68 = arith.constant 2 : i32
      %mul3A_69 = arith.muli %mul3A_67, %mul3A_68 : i32
      %add3A_70 = arith.constant 0 : i32
      %add3A_71 = arith.addi %mul3A_69, %add3A_70 : i32
      %add3A_72 = arith.constant 0 : i32
      %add3A_73 = arith.addi %add3A_71, %add3A_72 : i32
      %mul3A_74 = arith.constant 128 : i32
      %mul3A_75 = arith.muli %add3A_73, %mul3A_74 : i32
      %dma_start3A = arith.constant 0 : i32
      %dma_start3A_76 = arith.constant 0 : i32
      %dma_start3A_77 = arith.constant 0 : i32
      %dma_start3A_78 = tpu.memref_slice %arg7[%dma_start3A, %dma_start3A_76, %dma_start3A_77] : memref<4x128x128xf32, #tpu.memory_space<vmem>> -> memref<1x128x128xf32, #tpu.memory_space<vmem>>
      %dma_start3A_79 = tpu.memref_squeeze %dma_start3A_78 : memref<1x128x128xf32, #tpu.memory_space<vmem>> -> memref<128x128xf32, #tpu.memory_space<vmem>>
      %dma_start3A_80 = tpu.memref_slice %arg6[%mul3A_75] : memref<2560xi32, #tpu.memory_space<vmem>> -> memref<128xi32, #tpu.memory_space<vmem>>
      %dma_start3A_81 = arith.constant 0 : i32
      %dma_start3A_82 = arith.constant 0 : i32
      %dma_start3A_83 = tpu.memref_slice %arg5[%dma_start3A_81, %dma_start3A_82] : memref<1000x128xf32, #tpu.memory_space<vmem_shared>> -> memref<1000x128xf32, #tpu.memory_space<vmem_shared>>
      tpu.enqueue_indirect_dma source(%dma_start3A_83 : memref<1000x128xf32, #tpu.memory_space<vmem_shared>>) target(%dma_start3A_79 : memref<128x128xf32, #tpu.memory_space<vmem>>) offsets(%dma_start3A_80 : memref<128xi32, #tpu.memory_space<vmem>>) semaphore(%arg8 : memref<!tpu.dma_semaphore, #tpu.memory_space<semaphore_mem>>)
      %add3A_84 = arith.constant 1 : i32
      %add3A_85 = arith.addi %add3A_71, %add3A_84 : i32
      %mul3A_86 = arith.constant 128 : i32
      %mul3A_87 = arith.muli %add3A_85, %mul3A_86 : i32
      %dma_start3A_88 = arith.constant 1 : i32
      %dma_start3A_89 = arith.constant 0 : i32
      %dma_start3A_90 = arith.constant 0 : i32
      %dma_start3A_91 = tpu.memref_slice %arg7[%dma_start3A_88, %dma_start3A_89, %dma_start3A_90] : memref<4x128x128xf32, #tpu.memory_space<vmem>> -> memref<1x128x128xf32, #tpu.memory_space<vmem>>
      %dma_start3A_92 = tpu.memref_squeeze %dma_start3A_91 : memref<1x128x128xf32, #tpu.memory_space<vmem>> -> memref<128x128xf32, #tpu.memory_space<vmem>>
      %dma_start3A_93 = tpu.memref_slice %arg6[%mul3A_87] : memref<2560xi32, #tpu.memory_space<vmem>> -> memref<128xi32, #tpu.memory_space<vmem>>
      %dma_start3A_94 = arith.constant 0 : i32
      %dma_start3A_95 = arith.constant 0 : i32
      %dma_start3A_96 = tpu.memref_slice %arg5[%dma_start3A_94, %dma_start3A_95] : memref<1000x128xf32, #tpu.memory_space<vmem_shared>> -> memref<1000x128xf32, #tpu.memory_space<vmem_shared>>
      tpu.enqueue_indirect_dma source(%dma_start3A_96 : memref<1000x128xf32, #tpu.memory_space<vmem_shared>>) target(%dma_start3A_92 : memref<128x128xf32, #tpu.memory_space<vmem>>) offsets(%dma_start3A_93 : memref<128xi32, #tpu.memory_space<vmem>>) semaphore(%arg9 : memref<!tpu.dma_semaphore, #tpu.memory_space<semaphore_mem>>)
      %gt3A_97 = arith.constant 0 : i32
      %gt3A_98 = arith.cmpi sgt, %scan3A_61, %gt3A_97 : i32
      %convert_element_type3A_99 = arith.extui %gt3A_98 : i1 to i32
      %cond3A_100 = arith.constant 0 : i32
      %cond3A_101 = arith.cmpi ne, %convert_element_type3A_99, %cond3A_100 : i32
      scf.if %cond3A_101 {
        %dma_wait3A_254 = arith.constant 2 : i32
        %dma_wait3A_255 = arith.constant 0 : i32
        %dma_wait3A_256 = arith.constant 0 : i32
        %dma_wait3A_257 = tpu.memref_slice %arg7[%dma_wait3A_254, %dma_wait3A_255, %dma_wait3A_256] : memref<4x128x128xf32, #tpu.memory_space<vmem>> -> memref<1x128x128xf32, #tpu.memory_space<vmem>>
        %dma_wait3A_258 = tpu.memref_squeeze %dma_wait3A_257 : memref<1x128x128xf32, #tpu.memory_space<vmem>> -> memref<128x128xf32, #tpu.memory_space<vmem>>
        %dma_wait3A_259 = arith.constant 0 : i32
        %dma_wait3A_260 = tpu.memref_slice %arg4[%mul3A_2, %dma_wait3A_259] : memref<81920x128xf32, #tpu.memory_space<hbm>> -> memref<128x128xf32, #tpu.memory_space<hbm>>
        %dma_wait3A_261 = arith.constant 0 : i32
        %dma_wait3A_262 = tpu.memref_slice %arg4[%mul3A_2, %dma_wait3A_261] : memref<81920x128xf32, #tpu.memory_space<hbm>> -> memref<128x128xf32, #tpu.memory_space<hbm>>
        %dma_wait3A_263 = arith.constant 0 : i32
        %dma_wait3A_264 = arith.constant 0 : i32
        %dma_wait3A_265 = tpu.memref_slice %arg7[%dma_wait3A_254, %dma_wait3A_263, %dma_wait3A_264] : memref<4x128x128xf32, #tpu.memory_space<vmem>> -> memref<1x128x128xf32, #tpu.memory_space<vmem>>
        %dma_wait3A_266 = tpu.memref_squeeze %dma_wait3A_265 : memref<1x128x128xf32, #tpu.memory_space<vmem>> -> memref<128x128xf32, #tpu.memory_space<vmem>>
        tpu.wait_dma2 semaphore(%arg14 : memref<!tpu.dma_semaphore, #tpu.memory_space<semaphore_mem>>) src(%dma_wait3A_266 : memref<128x128xf32, #tpu.memory_space<vmem>>) dst(%dma_wait3A_262 : memref<128x128xf32, #tpu.memory_space<hbm>>)
        %dma_wait3A_267 = arith.constant 3 : i32
        %dma_wait3A_268 = arith.constant 0 : i32
        %dma_wait3A_269 = arith.constant 0 : i32
        %dma_wait3A_270 = tpu.memref_slice %arg7[%dma_wait3A_267, %dma_wait3A_268, %dma_wait3A_269] : memref<4x128x128xf32, #tpu.memory_space<vmem>> -> memref<1x128x128xf32, #tpu.memory_space<vmem>>
        %dma_wait3A_271 = tpu.memref_squeeze %dma_wait3A_270 : memref<1x128x128xf32, #tpu.memory_space<vmem>> -> memref<128x128xf32, #tpu.memory_space<vmem>>
        %dma_wait3A_272 = arith.constant 0 : i32
        %dma_wait3A_273 = tpu.memref_slice %arg4[%mul3A_2, %dma_wait3A_272] : memref<81920x128xf32, #tpu.memory_space<hbm>> -> memref<128x128xf32, #tpu.memory_space<hbm>>
        %dma_wait3A_274 = arith.constant 0 : i32
        %dma_wait3A_275 = tpu.memref_slice %arg4[%mul3A_2, %dma_wait3A_274] : memref<81920x128xf32, #tpu.memory_space<hbm>> -> memref<128x128xf32, #tpu.memory_space<hbm>>
        %dma_wait3A_276 = arith.constant 0 : i32
        %dma_wait3A_277 = arith.constant 0 : i32
        %dma_wait3A_278 = tpu.memref_slice %arg7[%dma_wait3A_267, %dma_wait3A_276, %dma_wait3A_277] : memref<4x128x128xf32, #tpu.memory_space<vmem>> -> memref<1x128x128xf32, #tpu.memory_space<vmem>>
        %dma_wait3A_279 = tpu.memref_squeeze %dma_wait3A_278 : memref<1x128x128xf32, #tpu.memory_space<vmem>> -> memref<128x128xf32, #tpu.memory_space<vmem>>
        tpu.wait_dma2 semaphore(%arg15 : memref<!tpu.dma_semaphore, #tpu.memory_space<semaphore_mem>>) src(%dma_wait3A_279 : memref<128x128xf32, #tpu.memory_space<vmem>>) dst(%dma_wait3A_275 : memref<128x128xf32, #tpu.memory_space<hbm>>)
      } else {
      }
      %mul3A_102 = arith.constant 2 : i32
      %mul3A_103 = arith.muli %scan3A_61, %mul3A_102 : i32
      %mul3A_104 = arith.constant 2 : i32
      %mul3A_105 = arith.muli %mul3A_103, %mul3A_104 : i32
      %add3A_106 = arith.constant 2 : i32
      %add3A_107 = arith.addi %mul3A_105, %add3A_106 : i32
      %add3A_108 = arith.constant 0 : i32
      %add3A_109 = arith.addi %add3A_107, %add3A_108 : i32
      %mul3A_110 = arith.constant 128 : i32
      %mul3A_111 = arith.muli %add3A_109, %mul3A_110 : i32
      %dma_start3A_112 = arith.constant 2 : i32
      %dma_start3A_113 = arith.constant 0 : i32
      %dma_start3A_114 = arith.constant 0 : i32
      %dma_start3A_115 = tpu.memref_slice %arg7[%dma_start3A_112, %dma_start3A_113, %dma_start3A_114] : memref<4x128x128xf32, #tpu.memory_space<vmem>> -> memref<1x128x128xf32, #tpu.memory_space<vmem>>
      %dma_start3A_116 = tpu.memref_squeeze %dma_start3A_115 : memref<1x128x128xf32, #tpu.memory_space<vmem>> -> memref<128x128xf32, #tpu.memory_space<vmem>>
      %dma_start3A_117 = tpu.memref_slice %arg6[%mul3A_111] : memref<2560xi32, #tpu.memory_space<vmem>> -> memref<128xi32, #tpu.memory_space<vmem>>
      %dma_start3A_118 = arith.constant 0 : i32
      %dma_start3A_119 = arith.constant 0 : i32
      %dma_start3A_120 = tpu.memref_slice %arg5[%dma_start3A_118, %dma_start3A_119] : memref<1000x128xf32, #tpu.memory_space<vmem_shared>> -> memref<1000x128xf32, #tpu.memory_space<vmem_shared>>
      tpu.enqueue_indirect_dma source(%dma_start3A_120 : memref<1000x128xf32, #tpu.memory_space<vmem_shared>>) target(%dma_start3A_116 : memref<128x128xf32, #tpu.memory_space<vmem>>) offsets(%dma_start3A_117 : memref<128xi32, #tpu.memory_space<vmem>>) semaphore(%arg10 : memref<!tpu.dma_semaphore, #tpu.memory_space<semaphore_mem>>)
      %add3A_121 = arith.constant 1 : i32
      %add3A_122 = arith.addi %add3A_107, %add3A_121 : i32
      %mul3A_123 = arith.constant 128 : i32
      %mul3A_124 = arith.muli %add3A_122, %mul3A_123 : i32
      %dma_start3A_125 = arith.constant 3 : i32
      %dma_start3A_126 = arith.constant 0 : i32
      %dma_start3A_127 = arith.constant 0 : i32
      %dma_start3A_128 = tpu.memref_slice %arg7[%dma_start3A_125, %dma_start3A_126, %dma_start3A_127] : memref<4x128x128xf32, #tpu.memory_space<vmem>> -> memref<1x128x128xf32, #tpu.memory_space<vmem>>
      %dma_start3A_129 = tpu.memref_squeeze %dma_start3A_128 : memref<1x128x128xf32, #tpu.memory_space<vmem>> -> memref<128x128xf32, #tpu.memory_space<vmem>>
      %dma_start3A_130 = tpu.memref_slice %arg6[%mul3A_124] : memref<2560xi32, #tpu.memory_space<vmem>> -> memref<128xi32, #tpu.memory_space<vmem>>
      %dma_start3A_131 = arith.constant 0 : i32
      %dma_start3A_132 = arith.constant 0 : i32
      %dma_start3A_133 = tpu.memref_slice %arg5[%dma_start3A_131, %dma_start3A_132] : memref<1000x128xf32, #tpu.memory_space<vmem_shared>> -> memref<1000x128xf32, #tpu.memory_space<vmem_shared>>
      tpu.enqueue_indirect_dma source(%dma_start3A_133 : memref<1000x128xf32, #tpu.memory_space<vmem_shared>>) target(%dma_start3A_129 : memref<128x128xf32, #tpu.memory_space<vmem>>) offsets(%dma_start3A_130 : memref<128xi32, #tpu.memory_space<vmem>>) semaphore(%arg11 : memref<!tpu.dma_semaphore, #tpu.memory_space<semaphore_mem>>)
      %mul3A_134 = arith.constant 2 : i32
      %mul3A_135 = arith.muli %scan3A_61, %mul3A_134 : i32
      %mul3A_136 = arith.constant 2 : i32
      %mul3A_137 = arith.muli %mul3A_135, %mul3A_136 : i32
      %add3A_138 = arith.constant 0 : i32
      %add3A_139 = arith.addi %mul3A_137, %add3A_138 : i32
      %dma_wait3A_140 = arith.constant 0 : i32
      %dma_wait3A_141 = arith.constant 0 : i32
      %dma_wait3A_142 = arith.constant 0 : i32
      %dma_wait3A_143 = tpu.memref_slice %arg7[%dma_wait3A_140, %dma_wait3A_141, %dma_wait3A_142] : memref<4x128x128xf32, #tpu.memory_space<vmem>> -> memref<1x128x128xf32, #tpu.memory_space<vmem>>
      %dma_wait3A_144 = tpu.memref_squeeze %dma_wait3A_143 : memref<1x128x128xf32, #tpu.memory_space<vmem>> -> memref<128x128xf32, #tpu.memory_space<vmem>>
      %dma_wait3A_145 = tpu.memref_slice %arg6[%mul3A_75] : memref<2560xi32, #tpu.memory_space<vmem>> -> memref<128xi32, #tpu.memory_space<vmem>>
      %dma_wait3A_146 = arith.constant 0 : i32
      %dma_wait3A_147 = arith.constant 0 : i32
      %dma_wait3A_148 = tpu.memref_slice %arg5[%dma_wait3A_146, %dma_wait3A_147] : memref<1000x128xf32, #tpu.memory_space<vmem_shared>> -> memref<1000x128xf32, #tpu.memory_space<vmem_shared>>
      tpu.wait_indirect_dma semaphore(%arg8 : memref<!tpu.dma_semaphore, #tpu.memory_space<semaphore_mem>>) src(%dma_wait3A_148 : memref<1000x128xf32, #tpu.memory_space<vmem_shared>>) dst(%dma_wait3A_144 : memref<128x128xf32, #tpu.memory_space<vmem>>)
      %add3A_149 = arith.constant 0 : i32
      %add3A_150 = arith.addi %add3A_139, %add3A_149 : i32
      %mul3A_151 = arith.constant 128 : i32
      %mul3A_152 = arith.muli %add3A_150, %mul3A_151 : i32
      %add3A_153 = arith.addi %mul3A_2, %mul3A_152 : i32
      %dma_start3A_154 = arith.constant 0 : i32
      %dma_start3A_155 = arith.constant 0 : i32
      %dma_start3A_156 = arith.constant 0 : i32
      %dma_start3A_157 = tpu.memref_slice %arg7[%dma_start3A_154, %dma_start3A_155, %dma_start3A_156] : memref<4x128x128xf32, #tpu.memory_space<vmem>> -> memref<1x128x128xf32, #tpu.memory_space<vmem>>
      %dma_start3A_158 = tpu.memref_squeeze %dma_start3A_157 : memref<1x128x128xf32, #tpu.memory_space<vmem>> -> memref<128x128xf32, #tpu.memory_space<vmem>>
      %dma_start3A_159 = arith.constant 0 : i32
      %dma_start3A_160 = tpu.memref_slice %arg4[%add3A_153, %dma_start3A_159] : memref<81920x128xf32, #tpu.memory_space<hbm>> -> memref<128x128xf32, #tpu.memory_space<hbm>>
      %dma_start3A_161 = arith.constant 0 : i32
      %dma_start3A_162 = tpu.memref_slice %arg4[%add3A_153, %dma_start3A_161] : memref<81920x128xf32, #tpu.memory_space<hbm>> -> memref<128x128xf32, #tpu.memory_space<hbm>>
      %dma_start3A_163 = arith.constant 0 : i32
      %dma_start3A_164 = arith.constant 0 : i32
      %dma_start3A_165 = tpu.memref_slice %arg7[%dma_start3A_154, %dma_start3A_163, %dma_start3A_164] : memref<4x128x128xf32, #tpu.memory_space<vmem>> -> memref<1x128x128xf32, #tpu.memory_space<vmem>>
      %dma_start3A_166 = tpu.memref_squeeze %dma_start3A_165 : memref<1x128x128xf32, #tpu.memory_space<vmem>> -> memref<128x128xf32, #tpu.memory_space<vmem>>
      tpu.enqueue_dma source(%dma_start3A_166 : memref<128x128xf32, #tpu.memory_space<vmem>>) target(%dma_start3A_162 : memref<128x128xf32, #tpu.memory_space<hbm>>) target_semaphore(%arg12 : memref<!tpu.dma_semaphore, #tpu.memory_space<semaphore_mem>>)
      %dma_wait3A_167 = arith.constant 1 : i32
      %dma_wait3A_168 = arith.constant 0 : i32
      %dma_wait3A_169 = arith.constant 0 : i32
      %dma_wait3A_170 = tpu.memref_slice %arg7[%dma_wait3A_167, %dma_wait3A_168, %dma_wait3A_169] : memref<4x128x128xf32, #tpu.memory_space<vmem>> -> memref<1x128x128xf32, #tpu.memory_space<vmem>>
      %dma_wait3A_171 = tpu.memref_squeeze %dma_wait3A_170 : memref<1x128x128xf32, #tpu.memory_space<vmem>> -> memref<128x128xf32, #tpu.memory_space<vmem>>
      %dma_wait3A_172 = tpu.memref_slice %arg6[%mul3A_87] : memref<2560xi32, #tpu.memory_space<vmem>> -> memref<128xi32, #tpu.memory_space<vmem>>
      %dma_wait3A_173 = arith.constant 0 : i32
      %dma_wait3A_174 = arith.constant 0 : i32
      %dma_wait3A_175 = tpu.memref_slice %arg5[%dma_wait3A_173, %dma_wait3A_174] : memref<1000x128xf32, #tpu.memory_space<vmem_shared>> -> memref<1000x128xf32, #tpu.memory_space<vmem_shared>>
      tpu.wait_indirect_dma semaphore(%arg9 : memref<!tpu.dma_semaphore, #tpu.memory_space<semaphore_mem>>) src(%dma_wait3A_175 : memref<1000x128xf32, #tpu.memory_space<vmem_shared>>) dst(%dma_wait3A_171 : memref<128x128xf32, #tpu.memory_space<vmem>>)
      %add3A_176 = arith.constant 1 : i32
      %add3A_177 = arith.addi %add3A_139, %add3A_176 : i32
      %mul3A_178 = arith.constant 128 : i32
      %mul3A_179 = arith.muli %add3A_177, %mul3A_178 : i32
      %add3A_180 = arith.addi %mul3A_2, %mul3A_179 : i32
      %dma_start3A_181 = arith.constant 1 : i32
      %dma_start3A_182 = arith.constant 0 : i32
      %dma_start3A_183 = arith.constant 0 : i32
      %dma_start3A_184 = tpu.memref_slice %arg7[%dma_start3A_181, %dma_start3A_182, %dma_start3A_183] : memref<4x128x128xf32, #tpu.memory_space<vmem>> -> memref<1x128x128xf32, #tpu.memory_space<vmem>>
      %dma_start3A_185 = tpu.memref_squeeze %dma_start3A_184 : memref<1x128x128xf32, #tpu.memory_space<vmem>> -> memref<128x128xf32, #tpu.memory_space<vmem>>
      %dma_start3A_186 = arith.constant 0 : i32
      %dma_start3A_187 = tpu.memref_slice %arg4[%add3A_180, %dma_start3A_186] : memref<81920x128xf32, #tpu.memory_space<hbm>> -> memref<128x128xf32, #tpu.memory_space<hbm>>
      %dma_start3A_188 = arith.constant 0 : i32
      %dma_start3A_189 = tpu.memref_slice %arg4[%add3A_180, %dma_start3A_188] : memref<81920x128xf32, #tpu.memory_space<hbm>> -> memref<128x128xf32, #tpu.memory_space<hbm>>
      %dma_start3A_190 = arith.constant 0 : i32
      %dma_start3A_191 = arith.constant 0 : i32
      %dma_start3A_192 = tpu.memref_slice %arg7[%dma_start3A_181, %dma_start3A_190, %dma_start3A_191] : memref<4x128x128xf32, #tpu.memory_space<vmem>> -> memref<1x128x128xf32, #tpu.memory_space<vmem>>
      %dma_start3A_193 = tpu.memref_squeeze %dma_start3A_192 : memref<1x128x128xf32, #tpu.memory_space<vmem>> -> memref<128x128xf32, #tpu.memory_space<vmem>>
      tpu.enqueue_dma source(%dma_start3A_193 : memref<128x128xf32, #tpu.memory_space<vmem>>) target(%dma_start3A_189 : memref<128x128xf32, #tpu.memory_space<hbm>>) target_semaphore(%arg13 : memref<!tpu.dma_semaphore, #tpu.memory_space<semaphore_mem>>)
      %mul3A_194 = arith.constant 2 : i32
      %mul3A_195 = arith.muli %scan3A_61, %mul3A_194 : i32
      %mul3A_196 = arith.constant 2 : i32
      %mul3A_197 = arith.muli %mul3A_195, %mul3A_196 : i32
      %add3A_198 = arith.constant 2 : i32
      %add3A_199 = arith.addi %mul3A_197, %add3A_198 : i32
      %dma_wait3A_200 = arith.constant 2 : i32
      %dma_wait3A_201 = arith.constant 0 : i32
      %dma_wait3A_202 = arith.constant 0 : i32
      %dma_wait3A_203 = tpu.memref_slice %arg7[%dma_wait3A_200, %dma_wait3A_201, %dma_wait3A_202] : memref<4x128x128xf32, #tpu.memory_space<vmem>> -> memref<1x128x128xf32, #tpu.memory_space<vmem>>
      %dma_wait3A_204 = tpu.memref_squeeze %dma_wait3A_203 : memref<1x128x128xf32, #tpu.memory_space<vmem>> -> memref<128x128xf32, #tpu.memory_space<vmem>>
      %dma_wait3A_205 = tpu.memref_slice %arg6[%mul3A_111] : memref<2560xi32, #tpu.memory_space<vmem>> -> memref<128xi32, #tpu.memory_space<vmem>>
      %dma_wait3A_206 = arith.constant 0 : i32
      %dma_wait3A_207 = arith.constant 0 : i32
      %dma_wait3A_208 = tpu.memref_slice %arg5[%dma_wait3A_206, %dma_wait3A_207] : memref<1000x128xf32, #tpu.memory_space<vmem_shared>> -> memref<1000x128xf32, #tpu.memory_space<vmem_shared>>
      tpu.wait_indirect_dma semaphore(%arg10 : memref<!tpu.dma_semaphore, #tpu.memory_space<semaphore_mem>>) src(%dma_wait3A_208 : memref<1000x128xf32, #tpu.memory_space<vmem_shared>>) dst(%dma_wait3A_204 : memref<128x128xf32, #tpu.memory_space<vmem>>)
      %add3A_209 = arith.constant 0 : i32
      %add3A_210 = arith.addi %add3A_199, %add3A_209 : i32
      %mul3A_211 = arith.constant 128 : i32
      %mul3A_212 = arith.muli %add3A_210, %mul3A_211 : i32
      %add3A_213 = arith.addi %mul3A_2, %mul3A_212 : i32
      %dma_start3A_214 = arith.constant 2 : i32
      %dma_start3A_215 = arith.constant 0 : i32
      %dma_start3A_216 = arith.constant 0 : i32
      %dma_start3A_217 = tpu.memref_slice %arg7[%dma_start3A_214, %dma_start3A_215, %dma_start3A_216] : memref<4x128x128xf32, #tpu.memory_space<vmem>> -> memref<1x128x128xf32, #tpu.memory_space<vmem>>
      %dma_start3A_218 = tpu.memref_squeeze %dma_start3A_217 : memref<1x128x128xf32, #tpu.memory_space<vmem>> -> memref<128x128xf32, #tpu.memory_space<vmem>>
      %dma_start3A_219 = arith.constant 0 : i32
      %dma_start3A_220 = tpu.memref_slice %arg4[%add3A_213, %dma_start3A_219] : memref<81920x128xf32, #tpu.memory_space<hbm>> -> memref<128x128xf32, #tpu.memory_space<hbm>>
      %dma_start3A_221 = arith.constant 0 : i32
      %dma_start3A_222 = tpu.memref_slice %arg4[%add3A_213, %dma_start3A_221] : memref<81920x128xf32, #tpu.memory_space<hbm>> -> memref<128x128xf32, #tpu.memory_space<hbm>>
      %dma_start3A_223 = arith.constant 0 : i32
      %dma_start3A_224 = arith.constant 0 : i32
      %dma_start3A_225 = tpu.memref_slice %arg7[%dma_start3A_214, %dma_start3A_223, %dma_start3A_224] : memref<4x128x128xf32, #tpu.memory_space<vmem>> -> memref<1x128x128xf32, #tpu.memory_space<vmem>>
      %dma_start3A_226 = tpu.memref_squeeze %dma_start3A_225 : memref<1x128x128xf32, #tpu.memory_space<vmem>> -> memref<128x128xf32, #tpu.memory_space<vmem>>
      tpu.enqueue_dma source(%dma_start3A_226 : memref<128x128xf32, #tpu.memory_space<vmem>>) target(%dma_start3A_222 : memref<128x128xf32, #tpu.memory_space<hbm>>) target_semaphore(%arg14 : memref<!tpu.dma_semaphore, #tpu.memory_space<semaphore_mem>>)
      %dma_wait3A_227 = arith.constant 3 : i32
      %dma_wait3A_228 = arith.constant 0 : i32
      %dma_wait3A_229 = arith.constant 0 : i32
      %dma_wait3A_230 = tpu.memref_slice %arg7[%dma_wait3A_227, %dma_wait3A_228, %dma_wait3A_229] : memref<4x128x128xf32, #tpu.memory_space<vmem>> -> memref<1x128x128xf32, #tpu.memory_space<vmem>>
      %dma_wait3A_231 = tpu.memref_squeeze %dma_wait3A_230 : memref<1x128x128xf32, #tpu.memory_space<vmem>> -> memref<128x128xf32, #tpu.memory_space<vmem>>
      %dma_wait3A_232 = tpu.memref_slice %arg6[%mul3A_124] : memref<2560xi32, #tpu.memory_space<vmem>> -> memref<128xi32, #tpu.memory_space<vmem>>
      %dma_wait3A_233 = arith.constant 0 : i32
      %dma_wait3A_234 = arith.constant 0 : i32
      %dma_wait3A_235 = tpu.memref_slice %arg5[%dma_wait3A_233, %dma_wait3A_234] : memref<1000x128xf32, #tpu.memory_space<vmem_shared>> -> memref<1000x128xf32, #tpu.memory_space<vmem_shared>>
      tpu.wait_indirect_dma semaphore(%arg11 : memref<!tpu.dma_semaphore, #tpu.memory_space<semaphore_mem>>) src(%dma_wait3A_235 : memref<1000x128xf32, #tpu.memory_space<vmem_shared>>) dst(%dma_wait3A_231 : memref<128x128xf32, #tpu.memory_space<vmem>>)
      %add3A_236 = arith.constant 1 : i32
      %add3A_237 = arith.addi %add3A_199, %add3A_236 : i32
      %mul3A_238 = arith.constant 128 : i32
      %mul3A_239 = arith.muli %add3A_237, %mul3A_238 : i32
      %add3A_240 = arith.addi %mul3A_2, %mul3A_239 : i32
      %dma_start3A_241 = arith.constant 3 : i32
      %dma_start3A_242 = arith.constant 0 : i32
      %dma_start3A_243 = arith.constant 0 : i32
      %dma_start3A_244 = tpu.memref_slice %arg7[%dma_start3A_241, %dma_start3A_242, %dma_start3A_243] : memref<4x128x128xf32, #tpu.memory_space<vmem>> -> memref<1x128x128xf32, #tpu.memory_space<vmem>>
      %dma_start3A_245 = tpu.memref_squeeze %dma_start3A_244 : memref<1x128x128xf32, #tpu.memory_space<vmem>> -> memref<128x128xf32, #tpu.memory_space<vmem>>
      %dma_start3A_246 = arith.constant 0 : i32
      %dma_start3A_247 = tpu.memref_slice %arg4[%add3A_240, %dma_start3A_246] : memref<81920x128xf32, #tpu.memory_space<hbm>> -> memref<128x128xf32, #tpu.memory_space<hbm>>
      %dma_start3A_248 = arith.constant 0 : i32
      %dma_start3A_249 = tpu.memref_slice %arg4[%add3A_240, %dma_start3A_248] : memref<81920x128xf32, #tpu.memory_space<hbm>> -> memref<128x128xf32, #tpu.memory_space<hbm>>
      %dma_start3A_250 = arith.constant 0 : i32
      %dma_start3A_251 = arith.constant 0 : i32
      %dma_start3A_252 = tpu.memref_slice %arg7[%dma_start3A_241, %dma_start3A_250, %dma_start3A_251] : memref<4x128x128xf32, #tpu.memory_space<vmem>> -> memref<1x128x128xf32, #tpu.memory_space<vmem>>
      %dma_start3A_253 = tpu.memref_squeeze %dma_start3A_252 : memref<1x128x128xf32, #tpu.memory_space<vmem>> -> memref<128x128xf32, #tpu.memory_space<vmem>>
      tpu.enqueue_dma source(%dma_start3A_253 : memref<128x128xf32, #tpu.memory_space<vmem>>) target(%dma_start3A_249 : memref<128x128xf32, #tpu.memory_space<hbm>>) target_semaphore(%arg15 : memref<!tpu.dma_semaphore, #tpu.memory_space<semaphore_mem>>)
    }
    %scan3A_9 = arith.constant 5 : i32
    %dma_wait3A = arith.constant 0 : i32
    %dma_wait3A_10 = arith.constant 0 : i32
    %dma_wait3A_11 = arith.constant 0 : i32
    %dma_wait3A_12 = tpu.memref_slice %arg7[%dma_wait3A, %dma_wait3A_10, %dma_wait3A_11] : memref<4x128x128xf32, #tpu.memory_space<vmem>> -> memref<1x128x128xf32, #tpu.memory_space<vmem>>
    %dma_wait3A_13 = tpu.memref_squeeze %dma_wait3A_12 : memref<1x128x128xf32, #tpu.memory_space<vmem>> -> memref<128x128xf32, #tpu.memory_space<vmem>>
    %dma_wait3A_14 = arith.constant 0 : i32
    %dma_wait3A_15 = tpu.memref_slice %arg4[%mul3A_2, %dma_wait3A_14] : memref<81920x128xf32, #tpu.memory_space<hbm>> -> memref<128x128xf32, #tpu.memory_space<hbm>>
    %dma_wait3A_16 = arith.constant 0 : i32
    %dma_wait3A_17 = tpu.memref_slice %arg4[%mul3A_2, %dma_wait3A_16] : memref<81920x128xf32, #tpu.memory_space<hbm>> -> memref<128x128xf32, #tpu.memory_space<hbm>>
    %dma_wait3A_18 = arith.constant 0 : i32
    %dma_wait3A_19 = arith.constant 0 : i32
    %dma_wait3A_20 = tpu.memref_slice %arg7[%dma_wait3A, %dma_wait3A_18, %dma_wait3A_19] : memref<4x128x128xf32, #tpu.memory_space<vmem>> -> memref<1x128x128xf32, #tpu.memory_space<vmem>>
    %dma_wait3A_21 = tpu.memref_squeeze %dma_wait3A_20 : memref<1x128x128xf32, #tpu.memory_space<vmem>> -> memref<128x128xf32, #tpu.memory_space<vmem>>
    tpu.wait_dma2 semaphore(%arg12 : memref<!tpu.dma_semaphore, #tpu.memory_space<semaphore_mem>>) src(%dma_wait3A_21 : memref<128x128xf32, #tpu.memory_space<vmem>>) dst(%dma_wait3A_17 : memref<128x128xf32, #tpu.memory_space<hbm>>)
    %dma_wait3A_22 = arith.constant 1 : i32
    %dma_wait3A_23 = arith.constant 0 : i32
    %dma_wait3A_24 = arith.constant 0 : i32
    %dma_wait3A_25 = tpu.memref_slice %arg7[%dma_wait3A_22, %dma_wait3A_23, %dma_wait3A_24] : memref<4x128x128xf32, #tpu.memory_space<vmem>> -> memref<1x128x128xf32, #tpu.memory_space<vmem>>
    %dma_wait3A_26 = tpu.memref_squeeze %dma_wait3A_25 : memref<1x128x128xf32, #tpu.memory_space<vmem>> -> memref<128x128xf32, #tpu.memory_space<vmem>>
    %dma_wait3A_27 = arith.constant 0 : i32
    %dma_wait3A_28 = tpu.memref_slice %arg4[%mul3A_2, %dma_wait3A_27] : memref<81920x128xf32, #tpu.memory_space<hbm>> -> memref<128x128xf32, #tpu.memory_space<hbm>>
    %dma_wait3A_29 = arith.constant 0 : i32
    %dma_wait3A_30 = tpu.memref_slice %arg4[%mul3A_2, %dma_wait3A_29] : memref<81920x128xf32, #tpu.memory_space<hbm>> -> memref<128x128xf32, #tpu.memory_space<hbm>>
    %dma_wait3A_31 = arith.constant 0 : i32
    %dma_wait3A_32 = arith.constant 0 : i32
    %dma_wait3A_33 = tpu.memref_slice %arg7[%dma_wait3A_22, %dma_wait3A_31, %dma_wait3A_32] : memref<4x128x128xf32, #tpu.memory_space<vmem>> -> memref<1x128x128xf32, #tpu.memory_space<vmem>>
    %dma_wait3A_34 = tpu.memref_squeeze %dma_wait3A_33 : memref<1x128x128xf32, #tpu.memory_space<vmem>> -> memref<128x128xf32, #tpu.memory_space<vmem>>
    tpu.wait_dma2 semaphore(%arg13 : memref<!tpu.dma_semaphore, #tpu.memory_space<semaphore_mem>>) src(%dma_wait3A_34 : memref<128x128xf32, #tpu.memory_space<vmem>>) dst(%dma_wait3A_30 : memref<128x128xf32, #tpu.memory_space<hbm>>)
    %dma_wait3A_35 = arith.constant 2 : i32
    %dma_wait3A_36 = arith.constant 0 : i32
    %dma_wait3A_37 = arith.constant 0 : i32
    %dma_wait3A_38 = tpu.memref_slice %arg7[%dma_wait3A_35, %dma_wait3A_36, %dma_wait3A_37] : memref<4x128x128xf32, #tpu.memory_space<vmem>> -> memref<1x128x128xf32, #tpu.memory_space<vmem>>
    %dma_wait3A_39 = tpu.memref_squeeze %dma_wait3A_38 : memref<1x128x128xf32, #tpu.memory_space<vmem>> -> memref<128x128xf32, #tpu.memory_space<vmem>>
    %dma_wait3A_40 = arith.constant 0 : i32
    %dma_wait3A_41 = tpu.memref_slice %arg4[%mul3A_2, %dma_wait3A_40] : memref<81920x128xf32, #tpu.memory_space<hbm>> -> memref<128x128xf32, #tpu.memory_space<hbm>>
    %dma_wait3A_42 = arith.constant 0 : i32
    %dma_wait3A_43 = tpu.memref_slice %arg4[%mul3A_2, %dma_wait3A_42] : memref<81920x128xf32, #tpu.memory_space<hbm>> -> memref<128x128xf32, #tpu.memory_space<hbm>>
    %dma_wait3A_44 = arith.constant 0 : i32
    %dma_wait3A_45 = arith.constant 0 : i32
    %dma_wait3A_46 = tpu.memref_slice %arg7[%dma_wait3A_35, %dma_wait3A_44, %dma_wait3A_45] : memref<4x128x128xf32, #tpu.memory_space<vmem>> -> memref<1x128x128xf32, #tpu.memory_space<vmem>>
    %dma_wait3A_47 = tpu.memref_squeeze %dma_wait3A_46 : memref<1x128x128xf32, #tpu.memory_space<vmem>> -> memref<128x128xf32, #tpu.memory_space<vmem>>
    tpu.wait_dma2 semaphore(%arg14 : memref<!tpu.dma_semaphore, #tpu.memory_space<semaphore_mem>>) src(%dma_wait3A_47 : memref<128x128xf32, #tpu.memory_space<vmem>>) dst(%dma_wait3A_43 : memref<128x128xf32, #tpu.memory_space<hbm>>)
    %dma_wait3A_48 = arith.constant 3 : i32
    %dma_wait3A_49 = arith.constant 0 : i32
    %dma_wait3A_50 = arith.constant 0 : i32
    %dma_wait3A_51 = tpu.memref_slice %arg7[%dma_wait3A_48, %dma_wait3A_49, %dma_wait3A_50] : memref<4x128x128xf32, #tpu.memory_space<vmem>> -> memref<1x128x128xf32, #tpu.memory_space<vmem>>
    %dma_wait3A_52 = tpu.memref_squeeze %dma_wait3A_51 : memref<1x128x128xf32, #tpu.memory_space<vmem>> -> memref<128x128xf32, #tpu.memory_space<vmem>>
    %dma_wait3A_53 = arith.constant 0 : i32
    %dma_wait3A_54 = tpu.memref_slice %arg4[%mul3A_2, %dma_wait3A_53] : memref<81920x128xf32, #tpu.memory_space<hbm>> -> memref<128x128xf32, #tpu.memory_space<hbm>>
    %dma_wait3A_55 = arith.constant 0 : i32
    %dma_wait3A_56 = tpu.memref_slice %arg4[%mul3A_2, %dma_wait3A_55] : memref<81920x128xf32, #tpu.memory_space<hbm>> -> memref<128x128xf32, #tpu.memory_space<hbm>>
    %dma_wait3A_57 = arith.constant 0 : i32
    %dma_wait3A_58 = arith.constant 0 : i32
    %dma_wait3A_59 = tpu.memref_slice %arg7[%dma_wait3A_48, %dma_wait3A_57, %dma_wait3A_58] : memref<4x128x128xf32, #tpu.memory_space<vmem>> -> memref<1x128x128xf32, #tpu.memory_space<vmem>>
    %dma_wait3A_60 = tpu.memref_squeeze %dma_wait3A_59 : memref<1x128x128xf32, #tpu.memory_space<vmem>> -> memref<128x128xf32, #tpu.memory_space<vmem>>
    tpu.wait_dma2 semaphore(%arg15 : memref<!tpu.dma_semaphore, #tpu.memory_space<semaphore_mem>>) src(%dma_wait3A_60 : memref<128x128xf32, #tpu.memory_space<vmem>>) dst(%dma_wait3A_56 : memref<128x128xf32, #tpu.memory_space<hbm>>)
    return
  }
}

module attributes {stable_mosaic.version = 14 : i64} {
  func.func @_table_body(%arg0: memref<1000x128xf32, #tpu.memory_space<vmem>>, %arg1: memref<1x128xf32, #tpu.memory_space<vmem>>, %arg2: memref<1000x128xf32, #tpu.memory_space<vmem>>) attributes {dimension_semantics = [], scalar_prefetch = 0 : i64, scratch_operands = 0 : i64, tpu.core_type = #tpu.core_type<tc>} {
    %get3A = arith.constant 0 : index
    %get3A_0 = arith.constant 0 : index
    %get3A_1 = vector.load %arg0[%get3A, %get3A_0] : memref<1000x128xf32, #tpu.memory_space<vmem>>, vector<1000x128xf32>
    %get3A_2 = arith.constant 0 : index
    %get3A_3 = arith.constant 0 : index
    %get3A_4 = vector.load %arg1[%get3A_2, %get3A_3] : memref<1x128xf32, #tpu.memory_space<vmem>>, vector<1x128xf32>
    %add3A = vector.broadcast %get3A_4 : vector<1x128xf32> to vector<1000x128xf32>
    %add3A_5 = arith.addf %get3A_1, %add3A : vector<1000x128xf32>
    %swap3A = arith.constant 0 : index
    %swap3A_6 = arith.constant 0 : index
    %swap3A_7 = vector.load %arg2[%swap3A, %swap3A_6] : memref<1000x128xf32, #tpu.memory_space<vmem>>, vector<1000x128xf32>
    tpu.vector_store %arg2[%swap3A, %swap3A_6], %add3A_5 {strides = array<i32>} : memref<1000x128xf32, #tpu.memory_space<vmem>>, vector<1000x128xf32>,
    return
  }
}

</mosaic_0001>

<sc_bundles>
// kernel: kernel.4.cloned.1.call-start
scs
__scs_entry_jumppad:
0x0: {  	(pc) =	sbr.rel $0x88, $3  }
0x1: {  	(tag) =	ssettag $0x0;
	lr =	simm.s32 $0x1  }
0x2: {  	[smem:$0x3F9E] =	sst lr;
	_ =	strace $0xD0000000  }
0x3: {  	_ = 	snop  }
0x4: {  	_ = 	snop  }
0x5: {  	_ = 	snop  }
0x6: {  	_ = 	snop  }
0x7: {  	_ = 	snop  }
__scs_overlays_trampoline_lowered:
0x8: {  	[smem:$0x3FAD] =	sst s0  }
0x9: {  	[smem:$0x3FAE] =	sst s1  }
0xa: {  	[smem:$0x3FAF] =	sst s2  }
0xb: {  	[smem:$0x3FB0] =	sst s3  }
0xc: {  	[smem:$0x3FB1] =	sst s4  }
0xd: {  	[smem:$0x3FB2] =	sst s5  }
0xe: {  	[smem:$0x3FB3] =	sst s6  }
0xf: {  	[smem:$0x3FB4] =	sst s7  }
0x10: {  	[smem:$0x3FB5] =	sst s8  }
0x11: {  	[smem:$0x3FB6] =	sst s9;
	s0 =	simm.s32 @!p0 $0x0  }
0x12: {  	s1 =	sld [smem:$0x3F9C];
	s0 =	simm.s32 @p0 $0x1  }
0x13: {  	[smem:$0x3FB7] =	sst s0;
	s0 =	simm.s32 @!p1 $0x0  }
0x14: {  	s2 =	sld [smem:$0x3F9B];
	s0 =	simm.s32 @p1 $0x1  }
0x15: {  	[smem:$0x3FB8] =	sst s0;
	s0 =	simm.s32 @!p2 $0x0  }
0x16: {  	s3 =	sld [smem:$0x3FDB];
	s0 =	simm.s32 @p2 $0x1  }
0x17: {  	s4 =	simm.s32 $0x1BF5;
	[smem:$0x3FBA] =	sst s0  }
0x18: {  	s0 =	sld [smem:$0x3F9D];
	_ =	swait.ge [sflag:s4], $0x0  }
0x19: {  	s7 =	sld [smem:$0x3F9E]  }
0x1a: {  	s8 =	sadd.s32 $0xFFFFE003, lr  }
0x1b: {  	s9 =	sadd.s32 $0xFFFFFEF7, lr;
	s5 =	simm.s32 $0xFFFFFFFF;
	p2 =	slt.u32 s8, $0xFFFFF086  }
0x1c: {  	p1 =	slt.u32 s9, $0xF7A;
	s5 =	simm.s32 @!p2 $0x0  }
0x1d: {  	s5 =	simm.s32 @p1 $0x1;
	p0 =	seq.s32 s7, s2  }
0x1e: {  	s7 =	smul.u32 @!p0 $0xF7A, s2;
	p2 =	seq.s32 @!p0 s5, $0x0  }
0x1f: {  	s9 =	smul.u32 $0xF7A, s1;
	s8 =	simm.s32 @!p0 $0x1BF5;
	p2 =	por !p2, p0  }
0x20: {  	[sflag:s8] =	ssyncset.s32 @!p0 $0xFFFFF086;
	s6 =	sadd.s32 @!p0 s3, s7;
	s7 =	simm.s32 @!p0 $0x108  }
0x21: {  	s3 =	sadd.s32 s3, s9;
	s6 =	sadd.s32 @!p0 $0x88, s6;
	s7 =	simm.s32 @p2 $0x1082  }
0x22: {  	[simem:s7], [sflag:s8] =	dma.local @!p0 [hbm:s6], $0xF7A  }
0x23: {  	s9 =	sor.u32 $0xD0000000, s2;
	s6 =	simm.s32 $0x108;
	_ =	swait.ge @!p0 [sflag:s8], $0x0  }
0x24: {  	s3 =	sadd.s32 $0x88, s3;
	s6 =	simm.s32 @!p1 $0x1082;
	[sflag:s4] =	ssyncset.s32 $0xFFFFF086  }
0x25: {  	[simem:s6], [sflag:s4] =	dma.local [hbm:s3], $0xF7A  }
0x26: {  	[smem:$0x3F9E] =	sst s1;
	(tag) =	ssettag s2;
	_ =	strace s9  }
0x27: {  	s1 =	sld [smem:$0x3FAE]  }
0x28: {  	s2 =	sld [smem:$0x3FAF]  }
0x29: {  	s4 =	sld [smem:$0x3FB1]  }
0x2a: {  	p0 =	seq.s32 s5, $0x0;
	s5 =	sld [smem:$0x3FB2]  }
0x2b: {  	s6 =	sld [smem:$0x3FB3]  }
0x2c: {  	s7 =	sld [smem:$0x3FB4]  }
0x2d: {  	s3 =	simm.s32 $0x108;
	s8 =	sld [smem:$0x3FB5]  }
0x2e: {  	s3 =	simm.s32 @!p0 $0x1082;
	s9 =	sld [smem:$0x3FB6]  }
0x2f: {  	lr =	sadd.s32 s0, s3;
	s0 =	sld [smem:$0x3FAD]  }
0x30: {  	s3 =	sld [smem:$0x3FB0]  }
0x31: {  	[smem:$0x3FB9] =	sst s10  }
0x32: {  	s10 =	sld [smem:$0x3FB7];
	_ =	sdelay $0x3  }
0x33: {  	p0 =	seq.s32 s10, $0x1;
	s10 =	sld [smem:$0x3FB9];
	_ =	sdelay $0x3  }
0x34: {  	[smem:$0x3FB9] =	sst s10  }
0x35: {  	s10 =	sld [smem:$0x3FB8];
	_ =	sdelay $0x3  }
0x36: {  	p1 =	seq.s32 s10, $0x1;
	s10 =	sld [smem:$0x3FB9];
	_ =	sdelay $0x3  }
0x37: {  	[smem:$0x3FB9] =	sst s10  }
0x38: {  	s10 =	sld [smem:$0x3FBA]  }
0x39: {  	_ = 	snop;
	(pc) =	sbr.ind lr, $3  }
0x3a: {  	_ = 	snop  }
0x3b: {  	_ = 	snop  }
0x3c: {  	p2 =	seq.s32 s10, $0x1;
	s10 =	sld [smem:$0x3FB9]  }
0x3d: {  	_ =	shalt  }
0x3e: {  	_ =	shalt  }
0x3f: {  	_ =	shalt  }
0x40: {  	_ =	shalt  }
0x41: {  	_ =	shalt  }
0x42: {  	_ =	shalt  }
0x43: {  	_ =	shalt  }
0x44: {  	_ =	shalt  }
0x45: {  	_ =	shalt  }
0x46: {  	_ =	shalt  }
0x47: {  	_ =	shalt  }
0x48: {  	_ =	shalt  }
0x49: {  	_ =	shalt  }
0x4a: {  	_ =	shalt  }
0x4b: {  	_ =	shalt  }
0x4c: {  	_ =	shalt  }
0x4d: {  	_ =	shalt  }
0x4e: {  	_ =	shalt  }
0x4f: {  	_ =	shalt  }
0x50: {  	_ =	shalt  }
0x51: {  	_ =	shalt  }
0x52: {  	_ =	shalt  }
0x53: {  	_ =	shalt  }
0x54: {  	_ =	shalt  }
0x55: {  	_ =	shalt  }
0x56: {  	_ =	shalt  }
0x57: {  	_ =	shalt  }
0x58: {  	_ =	shalt  }
0x59: {  	_ =	shalt  }
0x5a: {  	_ =	shalt  }
0x5b: {  	_ =	shalt  }
0x5c: {  	_ =	shalt  }
0x5d: {  	_ =	shalt  }
0x5e: {  	_ =	shalt  }
0x5f: {  	_ =	shalt  }
0x60: {  	_ =	shalt  }
0x61: {  	_ =	shalt  }
0x62: {  	_ =	shalt  }
0x63: {  	_ =	shalt  }
0x64: {  	_ =	shalt  }
0x65: {  	_ =	shalt  }
0x66: {  	_ =	shalt  }
0x67: {  	_ =	shalt  }
0x68: {  	_ =	shalt  }
0x69: {  	_ =	shalt  }
0x6a: {  	_ =	shalt  }
0x6b: {  	_ =	shalt  }
0x6c: {  	_ =	shalt  }
0x6d: {  	_ =	shalt  }
0x6e: {  	_ =	shalt  }
0x6f: {  	_ =	shalt  }
0x70: {  	_ =	shalt  }
0x71: {  	_ =	shalt  }
0x72: {  	_ =	shalt  }
0x73: {  	_ =	shalt  }
0x74: {  	_ =	shalt  }
0x75: {  	_ =	shalt  }
0x76: {  	_ =	shalt  }
0x77: {  	_ =	shalt  }
0x78: {  	_ =	shalt  }
0x79: {  	_ =	shalt  }
0x7a: {  	_ =	shalt  }
0x7b: {  	_ =	shalt  }
0x7c: {  	_ =	shalt  }
0x7d: {  	_ =	shalt  }
0x7e: {  	_ =	shalt  }
0x7f: {  	_ =	shalt  }
0x80: {  	_ =	shalt  }
0x81: {  	_ =	shalt  }
0x82: {  	_ =	shalt  }
0x83: {  	_ =	shalt  }
0x84: {  	_ =	shalt  }
0x85: {  	_ =	shalt  }
0x86: {  	_ =	shalt  }
0x87: {  	_ =	shalt  }
.Lfunc_end0:
.L_simem_size_0:
called_computation_lowered:
.L_overlay_start_0:
0x88: {  	s2 =	sld [smem:$0x3FD9]  }
0x89: {  	s3 =	sld [smem:$0x3FFE];
	_ =	sdelay $0x1  }
0x8a: {  	s1 =	srdreg.scid  }
0x8b: {  	s0 =	sand.u32 $0x1, s1  }
0x8c: {  	s17 =	sshll.u32 s0, $0xA;
	s2 =	sadd.s32 s3, s2  }
0x8d: {  	s2 =	sadd.s32 s2, s17  }
0x8e: {  	[smem:$0x3FC5] =	sst s2  }
0x8f: {  	_ = 	snop  }
0x90: {  	s2 =	sld [smem:$0x3FD0];
	(tm) =	ssettm $0x1  }
0x91: {  	s18 =	sld [smem:$0x3FFB];
	_ =	sdelay $0x3  }
0x92: {  	_ =	strace s18  }
0x93: {  	s3 =	sld [smem:$0x3FFC];
	_ =	sdelay $0x3  }
0x94: {  	_ =	strace s3  }
0x95: {  	s3 =	sld [smem:$0x3FFD];
	_ =	sdelay $0x3  }
0x96: {  	_ =	strace s3  }
0x97: {  	_ =	strace $0x8FFFFFFF  }
0x98: {  	s19 =	sld [smem:$0x3FDB];
	_ =	sdelay $0x1  }
0x99: {  	s4 =	simm.s32 $_scs_section_size  }
0x9a: {  	s5 =	simm.s32 $_size__tile_overlayer_lowered;
	s6 =	simm.s32 $_tile_overlayer_lowered  }
0x9b: {  	s22 =	simm.s32 $0x1BFF;
	s21 =	sshll.u32 s6, $0x1;
	s3 =	sadd.s32 s4, s19  }
0x9c: {  	s7 =	simm.s32 $0x0;
	s20 =	sshll.u32 s5, $0x1;
	s5 =	sadd.s32 s21, s3  }
0x9d: {  	[timem:s7], [sflag:s22] =	dma.local [hbm:s5], s20  }
0x9e: {  	_ =	swait.ge [sflag:s22], s20  }
0x9f: {  	s4 =	ssub.s32 $0x0, s20;
	[sflag:s22] =	ssyncset.done $0x0  }
0xa0: {  	[sflag:s22] =	ssyncadd.s32 s4;
	_ =	sdelay $0x1  }
0xa1: {  	s23 =	simm.s32 $0x1B8B  }
0xa2: {  	_ =	swait.ge [sflag:s23], $0x1  }
0xa3: {  	[sflag:s23] =	ssyncset.done $0x0  }
0xa4: {  	s25 =	simm.s32 $0x1B8E;
	s24 =	sld [smem:$0x3FFE];
	[sflag:s23] =	ssyncadd.s32 $0xFFFFFFFF  }
0xa5: {  	s26 =	simm.s32 $execute0_lowered;
	[smem:$0x3FD2] =	sst s25  }
0xa6: {  	s5 =	sshll.u32 s26, $0x1;
	_ =	strace $0x80000046;
	[dreg:$0x1] =	wrdreg $0xFFFFFFFF  }
0xa7: {  	s28 =	simm.s32 $_size_execute0_lowered;
	s3 =	sadd.s32 s3, s5;
	[dreg:$0x0] =	wrdreg $0x0  }
0xa8: {  	s5 =	sshll.u32 s28, $0x1;
	[dreg:$0x2] =	wrdreg s3  }
0xa9: {  	[dreg:$0x3] =	wrdreg s5  }
0xaa: {  	[dreg:$0x4] =	wrdreg $0xC0  }
0xab: {  	_ =	task [dreg:s7], $0x5FFFF  }
0xac: {  	[dreg:$0x1] =	wrdreg $0xFFFFFFFF  }
0xad: {  	[dreg:$0x0] =	wrdreg $0x60  }
0xae: {  	[dreg:$0x2] =	wrdreg s24  }
0xaf: {  	[dreg:$0x3] =	wrdreg s2  }
0xb0: {  	[dreg:$0x4] =	wrdreg $0x0  }
0xb1: {  	[dreg:$0x5] =	wrdreg $0x9  }
0xb2: {  	_ =	task.clear_ibuf [dreg:s7], $0x6FFFF;
	_ =	strace $0x90000046  }
0xb3: {  	s29 =	simm.s32 $0x9;
	_ =	strace $0x80000048  }
0xb4: {  	_ =	swait.ge [sflag:s29], $0x1  }
0xb5: {  	[sflag:s29] =	ssyncadd.s32 $0xFFFFFFFF  }
0xb6: {  	_ =	strace $0x90000048  }
0xb7: {  	_ =	sfence  }
0xb8: {  	s30 =	sld [smem:$0x0];
	_ =	sdelay $0x2  }
0xb9: {  	s31 =	sshll.u32 s1, $0xD;
	s1 =	sshrl.u32 s1, $0x2  }
0xba: {  	s3 =	sand.u32 $0x4000, s31;
	s1 =	sadd.s32 s1, s30  }
0xbb: {  	s0 =	sor.u32 s3, s0;
	s1 =	sshll.u32 s1, $0x11  }
0xbc: {  	s0 =	sor.u32 s1, s0  }
0xbd: {  	s0 =	sadd.s32 $0x8F2B, s0  }
0xbe: {  	[sflag:s0] =	ssyncadd.remote.s32 $0x1  }
0xbf: {  	_ =	sfence.sel $0xFFFF  }
0xc0: {  	[dreg:$0x0] =	wrdreg $0xFFFFFFFF;
	(pc) =	sbr.abs _section_cstart, $3  }
0xc1: {  	[dreg:$0x1] =	wrdreg $0xFFFFFFFF  }
0xc2: {  	_ =	task.clear_ibuf [dreg:s7], $0x2FFFF;
	_ =	strace $0x9FFFFFFF  }
0xc3: {  	(tm) =	ssettm $0x7FFFFFFF  }
tec
execute0_lowered:
.L_overlay_start_1:
0x0: {  	(tag) =	ssettag $0x1  }
0x1: {  	s0 =	rddreg [dreg:$0x0]  }
0x2: {  	s9 =	rddreg [dreg:$0x1];
	s2 =	srdreg.scid  }
0x3: {  	s10 =	stileid.u32;
	s1 =	rddreg [dreg:$0x2];
	s12 =	simm.s32 $0x1F40  }
0x4: {  	s13 =	simm.s32 $0x9;
	s14 =	simm.s32 $0x80;
	s15 =	simm.s32 $0x2940  }
0x5: {  	s17 =	simm.s32 $0x6940;
	s19 =	simm.s32 $0xA940;
	s21 =	simm.s32 $0xE940  }
0x6: {  	s22 =	simm.s32 $0x1;
	s23 =	simm.s32 $0x2;
	s24 =	simm.s32 $0x3  }
0x7: {  	s28 =	simm.s32 $0x6;
	s29 =	simm.s32 $0x7;
	s30 =	simm.s32 $0x8  }
0x8: {  	s31 =	simm.s32 $0x0;
	s7 =	sand.u32 $0x1, s2;
	s3 =	sshll.u32 s10, $0x1  }
0x9: {  	s2 =	simm.s32 $0x0;
	s26 =	smul.u32 $0x14000, s10;
	s4 =	sor.u32 s7, s3  }
0xa: {  	p0 =	sne.s32 s10, $0x0;
	[smem:$0x7FF] =	sst s2;
	s5 =	smul.u32 $0xA00, s4  }
0xb: {  	s3 =	sadd.s32 $0x3200, s0;
	s6 =	ssub.s32 $0x2, s7;
	s11 =	smul.u32 $0xA000, s7  }
0xc: {  	s25 =	sshrl.u32 s6, $0x1;
	s8 =	smul.u32 $0xA000, s4;
	s5 =	sshrl.u32 s5, $0x3  }
0xd: {  	_ =	strace $0x80000047;
	s0 =	sadd.s32 s5, s0;
	s5 =	ssub.s32 s6, s25  }
0xe: {  	s6 =	sadd.s32 s9, s8;
	s25 =	simm.s32 $0x4;
	s4 =	sadd.s32 $0xA00, s0  }
0xf: {  	s5 =	smax.u32 s5, $0x1;
	s7 =	sadd.s32 $0x800, s6;
	s0 =	sadd.s32 s26, s9  }
0x10: {  	s8 =	sadd.s32 $0x1000, s6;
	s9 =	sadd.s32 $0x1800, s6;
	s0 =	sadd.s32 s11, s0  }
0x11: {  	s26 =	simm.s32 $0x5;
	s11 =	sshrl.u32 @!p0 s1, $0x3;
	s10 =	sadd.s32 $0x2000, s0  }
.LBB2_1:
0x12: {  	s0 =	simm.s32 @!p0 $0x1C09  }
0x13: {  	[spmem:s11], [sflag:s0] =	dma.local @!p0 [hbm:s3], $0x3E80  }
0x14: {  	s0 =	simm.s32 @!p0 $0x9  }
0x15: {  	_ =	swait.ge @!p0 [sflag:s0], $0x3E80  }
0x16: {  	[sflag:s0] =	ssyncset.done @!p0 $0x0  }
0x17: {  	[sflag:s0] =	ssyncadd.s32 @!p0 $0xFFFFC180  }
0x18: {  	[tilespmem:s12], [sflag:$0x9] =	stream.linear.gather [hbm4b:s4+s2], $0xA00, $0x38;
	[tilespmem:$0x12940] =	vst v63  }
0x19: {  	_ =	swait.ge [sflag:s13], $0xA00  }
0x1a: {  	[sflag:s13] =	ssyncset.done $0x0  }
0x1b: {  	[sflag:s13] =	ssyncadd.s32 $0xFFFFF600  }
0x1c: {  	[bflag:$0x0] =	sbarrier.arrive $0xFFFF  }
0x1d: {  	[tilespmem:s15], [sflag:$0x1] =	stream.indirect.gather [spmem:s1], $0x80, s12, s14, $0xb8;
	[tilespmem:$0x12940] =	vst v63  }
0x1e: {  	s16 =	simm.s32 $0x1FC0  }
0x1f: {  	[tilespmem:s17], [sflag:$0x2] =	stream.indirect.gather [spmem:s1], $0x80, s16, s14, $0xb8;
	[tilespmem:$0x12940] =	vst v63  }
0x20: {  	s18 =	simm.s32 $0x2040  }
0x21: {  	[tilespmem:s19], [sflag:$0x3] =	stream.indirect.gather [spmem:s1], $0x80, s18, s14, $0xb8;
	[tilespmem:$0x12940] =	vst v63  }
0x22: {  	s20 =	simm.s32 $0x20C0  }
0x23: {  	[tilespmem:s21], [sflag:$0x4] =	stream.indirect.gather [spmem:s1], $0x80, s20, s14, $0xb8;
	[tilespmem:$0x12940] =	vst v63  }
0x24: {  	_ =	swait.ge [sflag:s22], $0x4000  }
0x25: {  	[sflag:s22] =	ssyncset.done $0x0  }
0x26: {  	[sflag:s22] =	ssyncadd.s32 $0xFFFFC000  }
0x27: {  	[hbm4b:s6+s2] =	stream.linear.scatter [tilespmem:s15], [sflag:$0x5], $0x4000, $0x38;
	[tilespmem:$0x12940] =	vst v63  }
0x28: {  	_ =	swait.ge [sflag:s23], $0x4000  }
0x29: {  	[sflag:s23] =	ssyncset.done $0x0  }
0x2a: {  	[sflag:s23] =	ssyncadd.s32 $0xFFFFC000  }
0x2b: {  	[hbm4b:s7+s2] =	stream.linear.scatter [tilespmem:s17], [sflag:$0x6], $0x4000, $0x38;
	[tilespmem:$0x12940] =	vst v63  }
0x2c: {  	_ =	swait.ge [sflag:s24], $0x4000  }
0x2d: {  	[sflag:s24] =	ssyncset.done $0x0  }
0x2e: {  	[sflag:s24] =	ssyncadd.s32 $0xFFFFC000  }
0x2f: {  	[hbm4b:s8+s2] =	stream.linear.scatter [tilespmem:s19], [sflag:$0x7], $0x4000, $0x38;
	[tilespmem:$0x12940] =	vst v63  }
0x30: {  	_ =	swait.ge [sflag:s25], $0x4000  }
0x31: {  	[sflag:s25] =	ssyncset.done $0x0  }
0x32: {  	[sflag:s25] =	ssyncadd.s32 $0xFFFFC000  }
0x33: {  	[hbm4b:s9+s2] =	stream.linear.scatter [tilespmem:s21], [sflag:$0x8], $0x4000, $0x38;
	[tilespmem:$0x12940] =	vst v63  }
0x34: {  	_ =	swait.ge [sflag:s26], $0x4000  }
0x35: {  	[sflag:s26] =	ssyncset.done $0x0  }
0x36: {  	[sflag:s26] =	ssyncadd.s32 $0xFFFFC000  }
0x37: {  	_ =	swait.ge [sflag:s28], $0x4000  }
0x38: {  	[sflag:s28] =	ssyncset.done $0x0  }
0x39: {  	s16 =	simm.s32 $0x2140;
	[sflag:s28] =	ssyncadd.s32 $0xFFFFC000  }
0x3a: {  	[tilespmem:s15], [sflag:$0x1] =	stream.indirect.gather [spmem:s1], $0x80, s16, s14, $0xb8;
	[tilespmem:$0x12940] =	vst v63  }
0x3b: {  	s18 =	simm.s32 $0x21C0  }
0x3c: {  	[tilespmem:s17], [sflag:$0x2] =	stream.indirect.gather [spmem:s1], $0x80, s18, s14, $0xb8;
	[tilespmem:$0x12940] =	vst v63  }
0x3d: {  	_ =	swait.ge [sflag:s29], $0x4000  }
0x3e: {  	[sflag:s29] =	ssyncset.done $0x0  }
0x3f: {  	[sflag:s29] =	ssyncadd.s32 $0xFFFFC000  }
0x40: {  	_ =	swait.ge [sflag:s30], $0x4000  }
0x41: {  	[sflag:s30] =	ssyncset.done $0x0  }
0x42: {  	s20 =	simm.s32 $0x2240;
	[sflag:s30] =	ssyncadd.s32 $0xFFFFC000  }
0x43: {  	[tilespmem:s19], [sflag:$0x3] =	stream.indirect.gather [spmem:s1], $0x80, s20, s14, $0xb8;
	[tilespmem:$0x12940] =	vst v63  }
0x44: {  	s16 =	simm.s32 $0x22C0  }
0x45: {  	[tilespmem:s21], [sflag:$0x4] =	stream.indirect.gather [spmem:s1], $0x80, s16, s14, $0xb8;
	[tilespmem:$0x12940] =	vst v63  }
0x46: {  	_ =	swait.ge [sflag:s22], $0x4000  }
0x47: {  	[sflag:s22] =	ssyncset.done $0x0  }
0x48: {  	[sflag:s22] =	ssyncadd.s32 $0xFFFFC000  }
0x49: {  	[hbm4b:s10+s2] =	stream.linear.scatter [tilespmem:s15], [sflag:$0x5], $0x4000, $0x38;
	[tilespmem:$0x12940] =	vst v63  }
0x4a: {  	_ =	swait.ge [sflag:s23], $0x4000  }
0x4b: {  	[sflag:s23] =	ssyncset.done $0x0  }
0x4c: {  	s18 =	sadd.s32 $0x800, s10;
	[sflag:s23] =	ssyncadd.s32 $0xFFFFC000  }
0x4d: {  	[hbm4b:s18+s2] =	stream.linear.scatter [tilespmem:s17], [sflag:$0x6], $0x4000, $0x38;
	[tilespmem:$0x12940] =	vst v63  }
0x4e: {  	_ =	swait.ge [sflag:s24], $0x4000  }
0x4f: {  	[sflag:s24] =	ssyncset.done $0x0  }
0x50: {  	s20 =	sadd.s32 $0x1000, s10;
	[sflag:s24] =	ssyncadd.s32 $0xFFFFC000  }
0x51: {  	[hbm4b:s20+s2] =	stream.linear.scatter [tilespmem:s19], [sflag:$0x7], $0x4000, $0x38;
	[tilespmem:$0x12940] =	vst v63  }
0x52: {  	_ =	swait.ge [sflag:s25], $0x4000  }
0x53: {  	s0 =	simm.s32 $0x800;
	[sflag:s25] =	ssyncset.done $0x0  }
0x54: {  	s16 =	sadd.s32 $0x2000, s10;
	s18 =	sadd.s32 $0x1800, s10;
	[sflag:s25] =	ssyncadd.s32 $0xFFFFC000  }
.LBB2_2:
0x55: {  	[hbm4b:s18+s2] =	stream.linear.scatter [tilespmem:s21], [sflag:$0x8], $0x4000, $0x38;
	[tilespmem:$0x12940] =	vst v63  }
0x56: {  	s18 =	smov.u32 s0  }
0x57: {  	p1 =	sne.s32 s0, $0x1800;
	s0 =	sadd.s32 $0x800, s0;
	_ =	swait.ge [sflag:s26], $0x4000  }
0x58: {  	[sflag:s26] =	ssyncset.done $0x0  }
0x59: {  	[sflag:s26] =	ssyncadd.s32 $0xFFFFC000  }
0x5a: {  	_ =	swait.ge [sflag:s28], $0x4000  }
0x5b: {  	s18 =	sshra.s32 s18, $0x2;
	[sflag:s28] =	ssyncset.done $0x0  }
0x5c: {  	s20 =	sadd.s32 $0x2140, s18;
	[sflag:s28] =	ssyncadd.s32 $0xFFFFC000  }
0x5d: {  	[tilespmem:s15], [sflag:$0x1] =	stream.indirect.gather [spmem:s1], $0x80, s20, s14, $0xb8;
	[tilespmem:$0x12940] =	vst v63  }
0x5e: {  	s20 =	sadd.s32 $0x21C0, s18  }
0x5f: {  	[tilespmem:s17], [sflag:$0x2] =	stream.indirect.gather [spmem:s1], $0x80, s20, s14, $0xb8;
	[tilespmem:$0x12940] =	vst v63  }
0x60: {  	_ =	swait.ge [sflag:s29], $0x4000  }
0x61: {  	[sflag:s29] =	ssyncset.done $0x0  }
0x62: {  	[sflag:s29] =	ssyncadd.s32 $0xFFFFC000  }
0x63: {  	_ =	swait.ge [sflag:s30], $0x4000  }
0x64: {  	[sflag:s30] =	ssyncset.done $0x0  }
0x65: {  	s20 =	sadd.s32 $0x2240, s18;
	[sflag:s30] =	ssyncadd.s32 $0xFFFFC000  }
0x66: {  	[tilespmem:s19], [sflag:$0x3] =	stream.indirect.gather [spmem:s1], $0x80, s20, s14, $0xb8;
	[tilespmem:$0x12940] =	vst v63  }
0x67: {  	s18 =	sadd.s32 $0x22C0, s18  }
0x68: {  	[tilespmem:s21], [sflag:$0x4] =	stream.indirect.gather [spmem:s1], $0x80, s18, s14, $0xb8;
	[tilespmem:$0x12940] =	vst v63  }
0x69: {  	_ =	swait.ge [sflag:s22], $0x4000  }
0x6a: {  	[sflag:s22] =	ssyncset.done $0x0  }
0x6b: {  	[sflag:s22] =	ssyncadd.s32 $0xFFFFC000  }
0x6c: {  	[hbm4b:s16+s2] =	stream.linear.scatter [tilespmem:s15], [sflag:$0x5], $0x4000, $0x38;
	[tilespmem:$0x12940] =	vst v63  }
0x6d: {  	_ =	swait.ge [sflag:s23], $0x4000  }
0x6e: {  	[sflag:s23] =	ssyncset.done $0x0  }
0x6f: {  	s18 =	sadd.s32 $0x800, s16;
	[sflag:s23] =	ssyncadd.s32 $0xFFFFC000  }
0x70: {  	[hbm4b:s18+s2] =	stream.linear.scatter [tilespmem:s17], [sflag:$0x6], $0x4000, $0x38;
	[tilespmem:$0x12940] =	vst v63  }
0x71: {  	_ =	swait.ge [sflag:s24], $0x4000  }
0x72: {  	[sflag:s24] =	ssyncset.done $0x0  }
.Ltmp0:
0x73: {  	s18 =	sadd.s32 $0x1000, s16;
	[sflag:s24] =	ssyncadd.s32 $0xFFFFC000;
	(pc) =	sbr.rel @p1 .LBB2_2-.Ltmp0, $4  }
0x74: {  	[hbm4b:s18+s2] =	stream.linear.scatter [tilespmem:s19], [sflag:$0x7], $0x4000, $0x38;
	[tilespmem:$0x12940] =	vst v63  }
0x75: {  	_ =	swait.ge [sflag:s25], $0x4000  }
0x76: {  	[sflag:s25] =	ssyncset.done $0x0  }
0x77: {  	s18 =	sadd.s32 $0x1800, s16;
	s16 =	sadd.s32 $0x2000, s16;
	[sflag:s25] =	ssyncadd.s32 $0xFFFFC000  }
0x78: {  	[hbm4b:s18+s2] =	stream.linear.scatter [tilespmem:s21], [sflag:$0x8], $0x4000, $0x38;
	[tilespmem:$0x12940] =	vst v63  }
0x79: {  	_ =	swait.ge [sflag:s26], $0x4000  }
0x7a: {  	[sflag:s26] =	ssyncset.done $0x0  }
0x7b: {  	[sflag:s26] =	ssyncadd.s32 $0xFFFFC000  }
0x7c: {  	_ =	swait.ge [sflag:s28], $0x4000  }
0x7d: {  	[sflag:s28] =	ssyncset.done $0x0  }
0x7e: {  	s31 =	sadd.s32 $0x1, s31;
	[sflag:s28] =	ssyncadd.s32 $0xFFFFC000  }
0x7f: {  	p1 =	sne.s32 s31, s5;
	_ =	swait.ge [sflag:s29], $0x4000  }
.Ltmp1:
0x80: {  	[sflag:s29] =	ssyncset.done $0x0;
	(pc) =	sbr.rel @p1 .LBB2_1-.Ltmp1, $4  }
0x81: {  	[sflag:s29] =	ssyncadd.s32 $0xFFFFC000  }
0x82: {  	_ =	swait.ge [sflag:s30], $0x4000  }
0x83: {  	[sflag:s30] =	ssyncset.done $0x0  }
0x84: {  	[sflag:s30] =	ssyncadd.s32 $0xFFFFC000  }
0x85: {  	_ =	sfence.sel $0x180000  }
0x86: {  	[bflag:$0x0] =	sbarrier.arrive $0xFFFF  }
0x87: {  	_ =	strace $0x90000047  }
0x88: {  	[bflag:$0x2] =	sbarrier.arrive $0xFFFF  }
0x89: {  	s0 =	rddreg [dreg:$0x3]  }
0x8a: {  	s0 =	sadd.s32 @!p0 $0x100000, s0  }
0x8b: {  	[sflag:s0] =	ssyncadd.tile.s32 @!p0 $0x1;
	_ =	shalt  }
.Lfunc_end2:
_tile_overlayer_lowered:
.L_overlay_start_2:
0x8c: {  	(tag) =	ssettag $0x2  }
0x8d: {  	s0 =	rddreg [dreg:$0x0];
	s2 =	stileid.u32  }
0x8e: {  	s1 =	rddreg [dreg:$0x1];
	p0 =	sne.s32 s2, $0x0  }
0x8f: {  	s3 =	rddreg [dreg:$0x2];
	[bflag:$0x3] =	sbarrier.arrive $0xFFFF;
	s2 =	simm.s32 @!p0 $0x1C09  }
0x90: {  	[timem:s3], [sflag:s2] =	dma.local @!p0 [hbm:s0], s1  }
0x91: {  	s0 =	simm.s32 @!p0 $0x9  }
0x92: {  	_ =	swait.ge @!p0 [sflag:s0], s1  }
0x93: {  	s1 =	ssub.s32 @!p0 $0x0, s1;
	[sflag:s0] =	ssyncset.done @!p0 $0x0  }
0x94: {  	[sflag:s0] =	ssyncadd.s32 @!p0 s1  }
0x95: {  	[bflag:$0x3] =	sbarrier.arrive $0xFFFF  }
0x96: {  	_ =	shalt  }

</sc_bundles>
